<compile_context>
chip_gen: v7x
topology: tpu7x:2x2x1
jax: 0.10.2.dev20260603
libtpu: 0.0.44.dev20260713+nightly
codegen_flags: <defaults>
</compile_context>

<pallas_src>
import functools

import jax
import jax.numpy as jnp
from jax import lax
from jax.experimental import pallas as pl
from jax.experimental.pallas import tpu as pltpu
from jax.experimental.pallas import tpu_sc as plsc

_NC, _NS, _L = 2, 16, 16
_NW = _NC * _NS


@functools.lru_cache(maxsize=None)
def _build(B, N):
    rows_per_w = B // _NW
    chunks = N // _L
    mesh = plsc.VectorSubcoreMesh(
        core_axis_name="c", subcore_axis_name="s",
        num_cores=_NC, num_subcores=_NS,
    )

    @functools.partial(
        pl.kernel,
        out_type=jax.ShapeDtypeStruct((B, N), jnp.float32),
        mesh=mesh,
        compiler_params=pltpu.CompilerParams(needs_layout_passes=False),
        scratch_types=(
            [pltpu.VMEM((N,), jnp.int32) for _ in range(rows_per_w)]
            + [pltpu.VMEM((N,), jnp.float32) for _ in range(rows_per_w)]
            + [
                pltpu.VMEM((B,), jnp.int32),
                pltpu.SemaphoreType.DMA,
                pltpu.SemaphoreType.DMA,
            ]
        ),
    )
    def k(sidx_hbm, tk_hbm, out_hbm, *rest):
        sidx_vs = rest[:rows_per_w]
        row_vs = rest[rows_per_w:2 * rows_per_w]
        tk_v, sem_in, sem_out = rest[2 * rows_per_w:]
        wid = lax.axis_index("c") * _NS + lax.axis_index("s")
        row0 = wid * rows_per_w
        iota = lax.iota(jnp.int32, _L)
        in_copies = [
            pltpu.async_copy(sidx_hbm.at[row0 + r], sidx_vs[r], sem_in)
            for r in range(rows_per_w)
        ]
        pltpu.sync_copy(tk_hbm, tk_v)
        zero = jnp.full((_L,), 0.0, jnp.float32)
        one = jnp.full((_L,), 1.0, jnp.float32)
        out_copies = []
        for r in range(rows_per_w):
            tk = plsc.load_gather(
                tk_v, [jnp.broadcast_to(row0 + r, (_L,))])
            sidx_v, row_v = sidx_vs[r], row_vs[r]
            in_copies[r].wait()

            @plsc.parallel_loop(0, chunks, unroll=8)
            def body(c):
                idx = sidx_v[pl.ds(c * _L, _L)]
                jv = iota + c * _L
                val = jnp.where(jv < tk, zero, one)
                plsc.store_scatter(row_v, [idx], val)

            out_copies.append(
                pltpu.async_copy(row_v, out_hbm.at[row0 + r], sem_out))
        for c in out_copies:
            c.wait()

    return k


def kernel(sort_index, mask_shape, top_k):
    B, N = sort_index.shape
    return _build(B, N)(sort_index, top_k.astype(jnp.int32))

# --- scband reference (transcript-rebuilt; emitter-appended) ---
"""Pipeline reference for scband-mask-gen-pytorch-4045859192997 (READ-ONLY COPY).

The authoritative reference and input builder live on the scoring server;
editing this copy changes nothing except your own understanding.
"""

import jax, jax.numpy as jnp
import numpy as np

B, N = 64, 4096

def setup_inputs(seed: int = 0) -> dict:
    key = jax.random.key(seed)
    k1, k2 = jax.random.split(key)
    # sort_index: per-row permutation of [0, N), as produced by argsort of scores
    scores = jax.random.normal(k1, (B, N), dtype=jnp.float32)
    sort_index = jnp.argsort(scores, axis=1).astype(jnp.int32)
    top_k = jax.random.randint(k2, (B,), 0, N, dtype=jnp.int32)
    mask_shape = (B, N)
    return {"sort_index": sort_index, "mask_shape": mask_shape, "top_k": top_k}

def reference(sort_index, mask_shape, top_k):
    # Faithful vectorization of:
    #   mask = ones(mask_shape)
    #   for i in range(B): mask[i, sort_index[i, :top_k[i]]] = 0
    Bm, Nm = sort_index.shape
    cols = jnp.arange(sort_index.shape[1], dtype=jnp.int32)[None, :]
    valid = (cols < top_k[:, None]).astype(jnp.float32)  # 1.0 where j < top_k[i]
    rows = jnp.broadcast_to(jnp.arange(Bm, dtype=jnp.int32)[:, None], sort_index.shape)
    # scatter-max of the 'valid' flag: duplicate indices safely combine (max),
    # matching the idempotent overwrite-with-zero semantics of the torch loop
    flag = jnp.zeros((Bm, Nm), dtype=jnp.float32).at[rows, sort_index].max(valid)
    shape_dep = jnp.asarray((mask_shape[0] - Bm) + (mask_shape[1] - Nm) + 1).astype(jnp.float32)
    mask = (1.0 - flag) * shape_dep
    return mask

if __name__ == "__main__":
    import jax
    _d = setup_inputs()
    print(jax.jit(kernel)(*tuple(_d.values())))

</pallas_src>

<mosaic_0001>
#map = affine_map<(d0, d1) -> (0, 0)>
#map1 = affine_map<(d0, d1) -> (0)>
module attributes {stable_mosaic.version = 14 : i64} {
  func.func @k(%arg0: i32, %arg1: i32, %arg2: memref<64x4096xi32, #tpu.memory_space<hbm>>, %arg3: memref<64xi32, #tpu.memory_space<hbm>>, %arg4: memref<64x4096xf32, #tpu.memory_space<hbm>>, %arg5: memref<4096xi32, #tpu.memory_space<vmem>>, %arg6: memref<4096xi32, #tpu.memory_space<vmem>>, %arg7: memref<4096xf32, #tpu.memory_space<vmem>>, %arg8: memref<4096xf32, #tpu.memory_space<vmem>>, %arg9: memref<64xi32, #tpu.memory_space<vmem>>, %arg10: memref<!tpu.dma_semaphore, #tpu.memory_space<semaphore_mem>>, %arg11: memref<!tpu.dma_semaphore, #tpu.memory_space<semaphore_mem>>) attributes {dimension_semantics = [#tpu.dimension_semantics<core_parallel>, #tpu.dimension_semantics<subcore_parallel>], iteration_bounds = array<i64: 2, 16>, scalar_prefetch = 0 : i64, scratch_operands = 7 : i64, tpu.core_type = #tpu.core_type<sc_vector_subcore>, window_params = [{transform_indices = #map}, {transform_indices = #map1}, {transform_indices = #map}]} {
    %mul3A = arith.constant 16 : i32
    %mul3A_0 = arith.muli %arg0, %mul3A : i32
    %add3A = arith.addi %mul3A_0, %arg1 : i32
    %mul3A_1 = arith.constant 2 : i32
    %mul3A_2 = arith.muli %add3A, %mul3A_1 : i32
    %iota3A = tpu.iota {dimensions = array<i32: 0>} : vector<16xi32>
    %add3A_3 = arith.constant 0 : i32
    %add3A_4 = arith.addi %mul3A_2, %add3A_3 : i32
    %dma_start3A = arith.constant 0 : i32
    %dma_start3A_5 = tpu.memref_slice %arg2[%add3A_4, %dma_start3A] : memref<64x4096xi32, #tpu.memory_space<hbm>> -> memref<1x4096xi32, #tpu.memory_space<hbm>>
    %dma_start3A_6 = tpu.memref_squeeze %dma_start3A_5 : memref<1x4096xi32, #tpu.memory_space<hbm>> -> memref<4096xi32, #tpu.memory_space<hbm>>
    %dma_start3A_7 = arith.constant 0 : i32
    %dma_start3A_8 = tpu.memref_slice %arg2[%add3A_4, %dma_start3A_7] : memref<64x4096xi32, #tpu.memory_space<hbm>> -> memref<1x4096xi32, #tpu.memory_space<hbm>>
    %dma_start3A_9 = tpu.memref_squeeze %dma_start3A_8 : memref<1x4096xi32, #tpu.memory_space<hbm>> -> memref<4096xi32, #tpu.memory_space<hbm>>
    tpu.enqueue_dma source(%dma_start3A_9 : memref<4096xi32, #tpu.memory_space<hbm>>) target(%arg5 : memref<4096xi32, #tpu.memory_space<vmem>>) target_semaphore(%arg10 : memref<!tpu.dma_semaphore, #tpu.memory_space<semaphore_mem>>)
    %add3A_10 = arith.constant 1 : i32
    %add3A_11 = arith.addi %mul3A_2, %add3A_10 : i32
    %dma_start3A_12 = arith.constant 0 : i32
    %dma_start3A_13 = tpu.memref_slice %arg2[%add3A_11, %dma_start3A_12] : memref<64x4096xi32, #tpu.memory_space<hbm>> -> memref<1x4096xi32, #tpu.memory_space<hbm>>
    %dma_start3A_14 = tpu.memref_squeeze %dma_start3A_13 : memref<1x4096xi32, #tpu.memory_space<hbm>> -> memref<4096xi32, #tpu.memory_space<hbm>>
    %dma_start3A_15 = arith.constant 0 : i32
    %dma_start3A_16 = tpu.memref_slice %arg2[%add3A_11, %dma_start3A_15] : memref<64x4096xi32, #tpu.memory_space<hbm>> -> memref<1x4096xi32, #tpu.memory_space<hbm>>
    %dma_start3A_17 = tpu.memref_squeeze %dma_start3A_16 : memref<1x4096xi32, #tpu.memory_space<hbm>> -> memref<4096xi32, #tpu.memory_space<hbm>>
    tpu.enqueue_dma source(%dma_start3A_17 : memref<4096xi32, #tpu.memory_space<hbm>>) target(%arg6 : memref<4096xi32, #tpu.memory_space<vmem>>) target_semaphore(%arg10 : memref<!tpu.dma_semaphore, #tpu.memory_space<semaphore_mem>>)
    "tpu.region"() ({
      %run_scoped3A = tpu.sem_alloc : memref<!tpu.dma_semaphore, #tpu.memory_space<semaphore_mem>>
      tpu.enqueue_dma source(%arg3 : memref<64xi32, #tpu.memory_space<hbm>>) target(%arg9 : memref<64xi32, #tpu.memory_space<vmem>>) target_semaphore(%run_scoped3A : memref<!tpu.dma_semaphore, #tpu.memory_space<semaphore_mem>>)
      tpu.wait_dma2 semaphore(%run_scoped3A : memref<!tpu.dma_semaphore, #tpu.memory_space<semaphore_mem>>) src(%arg3 : memref<64xi32, #tpu.memory_space<hbm>>) dst(%arg9 : memref<64xi32, #tpu.memory_space<vmem>>)
      tpu.yield
    }) : () -> ()
    %broadcast_in_dim3A = arith.constant 0.000000e+00 : f32
    %broadcast_in_dim3A_18 = vector.broadcast %broadcast_in_dim3A : f32 to vector<16xf32>
    %broadcast_in_dim3A_19 = arith.constant 1.000000e+00 : f32
    %broadcast_in_dim3A_20 = vector.broadcast %broadcast_in_dim3A_19 : f32 to vector<16xf32>
    %add3A_21 = arith.constant 0 : i32
    %add3A_22 = arith.addi %mul3A_2, %add3A_21 : i32
    %broadcast_in_dim3A_23 = vector.broadcast %add3A_22 : i32 to vector<16xi32>
    %gather3A = tpu.vector_load_idx %arg9[%broadcast_in_dim3A_23] : memref<64xi32, #tpu.memory_space<vmem>>[vector<16xi32>], vector<16xi32>,
    %dma_wait3A = arith.constant 0 : i32
    %dma_wait3A_24 = tpu.memref_slice %arg2[%add3A_4, %dma_wait3A] : memref<64x4096xi32, #tpu.memory_space<hbm>> -> memref<1x4096xi32, #tpu.memory_space<hbm>>
    %dma_wait3A_25 = tpu.memref_squeeze %dma_wait3A_24 : memref<1x4096xi32, #tpu.memory_space<hbm>> -> memref<4096xi32, #tpu.memory_space<hbm>>
    %dma_wait3A_26 = arith.constant 0 : i32
    %dma_wait3A_27 = tpu.memref_slice %arg2[%add3A_4, %dma_wait3A_26] : memref<64x4096xi32, #tpu.memory_space<hbm>> -> memref<1x4096xi32, #tpu.memory_space<hbm>>
    %dma_wait3A_28 = tpu.memref_squeeze %dma_wait3A_27 : memref<1x4096xi32, #tpu.memory_space<hbm>> -> memref<4096xi32, #tpu.memory_space<hbm>>
    tpu.wait_dma2 semaphore(%arg10 : memref<!tpu.dma_semaphore, #tpu.memory_space<semaphore_mem>>) src(%dma_wait3A_28 : memref<4096xi32, #tpu.memory_space<hbm>>) dst(%arg5 : memref<4096xi32, #tpu.memory_space<vmem>>)
    %parallel_loop3A = arith.constant 0 : i32
    %parallel_loop3A_29 = arith.constant 256 : i32
    %parallel_loop3A_30 = arith.constant 1 : i32
    scf.for %parallel_loop3A_72 = %parallel_loop3A to %parallel_loop3A_29 step %parallel_loop3A_30  : i32 {
      %parallel_loop3A_73 = arith.constant 16 : i32
      %parallel_loop3A_74 = arith.muli %parallel_loop3A_72, %parallel_loop3A_73 : i32
      %parallel_loop3A_75 = arith.index_cast %parallel_loop3A_74 : i32 to index
      %parallel_loop3A_76 = tpu.vector_load %arg5[%parallel_loop3A_75] {strides = array<i32>} : memref<4096xi32, #tpu.memory_space<vmem>>, vector<16xi32>,
      %parallel_loop3A_77 = arith.constant 16 : i32
      %parallel_loop3A_78 = arith.muli %parallel_loop3A_72, %parallel_loop3A_77 : i32
      %parallel_loop3A_79 = vector.broadcast %parallel_loop3A_78 : i32 to vector<16xi32>
      %parallel_loop3A_80 = arith.addi %iota3A, %parallel_loop3A_79 : vector<16xi32>
      %parallel_loop3A_81 = arith.cmpi slt, %parallel_loop3A_80, %gather3A : vector<16xi32>
      %parallel_loop3A_82 = arith.select %parallel_loop3A_81, %broadcast_in_dim3A_18, %broadcast_in_dim3A_20 : vector<16xi1>, vector<16xf32>
      tpu.vector_store_idx %arg7[%parallel_loop3A_76], %parallel_loop3A_82 : memref<4096xf32, #tpu.memory_space<vmem>>[vector<16xi32>], vector<16xf32>,
    } {sc.loop_unroll_factor = 8 : i64, sc.parallel_access}
    %add3A_31 = arith.constant 0 : i32
    %add3A_32 = arith.addi %mul3A_2, %add3A_31 : i32
    %dma_start3A_33 = arith.constant 0 : i32
    %dma_start3A_34 = tpu.memref_slice %arg4[%add3A_32, %dma_start3A_33] : memref<64x4096xf32, #tpu.memory_space<hbm>> -> memref<1x4096xf32, #tpu.memory_space<hbm>>
    %dma_start3A_35 = tpu.memref_squeeze %dma_start3A_34 : memref<1x4096xf32, #tpu.memory_space<hbm>> -> memref<4096xf32, #tpu.memory_space<hbm>>
    %dma_start3A_36 = arith.constant 0 : i32
    %dma_start3A_37 = tpu.memref_slice %arg4[%add3A_32, %dma_start3A_36] : memref<64x4096xf32, #tpu.memory_space<hbm>> -> memref<1x4096xf32, #tpu.memory_space<hbm>>
    %dma_start3A_38 = tpu.memref_squeeze %dma_start3A_37 : memref<1x4096xf32, #tpu.memory_space<hbm>> -> memref<4096xf32, #tpu.memory_space<hbm>>
    tpu.enqueue_dma source(%arg7 : memref<4096xf32, #tpu.memory_space<vmem>>) target(%dma_start3A_38 : memref<4096xf32, #tpu.memory_space<hbm>>) target_semaphore(%arg11 : memref<!tpu.dma_semaphore, #tpu.memory_space<semaphore_mem>>)
    %add3A_39 = arith.constant 1 : i32
    %add3A_40 = arith.addi %mul3A_2, %add3A_39 : i32
    %broadcast_in_dim3A_41 = vector.broadcast %add3A_40 : i32 to vector<16xi32>
    %gather3A_42 = tpu.vector_load_idx %arg9[%broadcast_in_dim3A_41] : memref<64xi32, #tpu.memory_space<vmem>>[vector<16xi32>], vector<16xi32>,
    %dma_wait3A_43 = arith.constant 0 : i32
    %dma_wait3A_44 = tpu.memref_slice %arg2[%add3A_11, %dma_wait3A_43] : memref<64x4096xi32, #tpu.memory_space<hbm>> -> memref<1x4096xi32, #tpu.memory_space<hbm>>
    %dma_wait3A_45 = tpu.memref_squeeze %dma_wait3A_44 : memref<1x4096xi32, #tpu.memory_space<hbm>> -> memref<4096xi32, #tpu.memory_space<hbm>>
    %dma_wait3A_46 = arith.constant 0 : i32
    %dma_wait3A_47 = tpu.memref_slice %arg2[%add3A_11, %dma_wait3A_46] : memref<64x4096xi32, #tpu.memory_space<hbm>> -> memref<1x4096xi32, #tpu.memory_space<hbm>>
    %dma_wait3A_48 = tpu.memref_squeeze %dma_wait3A_47 : memref<1x4096xi32, #tpu.memory_space<hbm>> -> memref<4096xi32, #tpu.memory_space<hbm>>
    tpu.wait_dma2 semaphore(%arg10 : memref<!tpu.dma_semaphore, #tpu.memory_space<semaphore_mem>>) src(%dma_wait3A_48 : memref<4096xi32, #tpu.memory_space<hbm>>) dst(%arg6 : memref<4096xi32, #tpu.memory_space<vmem>>)
    %parallel_loop3A_49 = arith.constant 0 : i32
    %parallel_loop3A_50 = arith.constant 256 : i32
    %parallel_loop3A_51 = arith.constant 1 : i32
    scf.for %parallel_loop3A_72 = %parallel_loop3A_49 to %parallel_loop3A_50 step %parallel_loop3A_51  : i32 {
      %parallel_loop3A_73 = arith.constant 16 : i32
      %parallel_loop3A_74 = arith.muli %parallel_loop3A_72, %parallel_loop3A_73 : i32
      %parallel_loop3A_75 = arith.index_cast %parallel_loop3A_74 : i32 to index
      %parallel_loop3A_76 = tpu.vector_load %arg6[%parallel_loop3A_75] {strides = array<i32>} : memref<4096xi32, #tpu.memory_space<vmem>>, vector<16xi32>,
      %parallel_loop3A_77 = arith.constant 16 : i32
      %parallel_loop3A_78 = arith.muli %parallel_loop3A_72, %parallel_loop3A_77 : i32
      %parallel_loop3A_79 = vector.broadcast %parallel_loop3A_78 : i32 to vector<16xi32>
      %parallel_loop3A_80 = arith.addi %iota3A, %parallel_loop3A_79 : vector<16xi32>
      %parallel_loop3A_81 = arith.cmpi slt, %parallel_loop3A_80, %gather3A_42 : vector<16xi32>
      %parallel_loop3A_82 = arith.select %parallel_loop3A_81, %broadcast_in_dim3A_18, %broadcast_in_dim3A_20 : vector<16xi1>, vector<16xf32>
      tpu.vector_store_idx %arg8[%parallel_loop3A_76], %parallel_loop3A_82 : memref<4096xf32, #tpu.memory_space<vmem>>[vector<16xi32>], vector<16xf32>,
    } {sc.loop_unroll_factor = 8 : i64, sc.parallel_access}
    %add3A_52 = arith.constant 1 : i32
    %add3A_53 = arith.addi %mul3A_2, %add3A_52 : i32
    %dma_start3A_54 = arith.constant 0 : i32
    %dma_start3A_55 = tpu.memref_slice %arg4[%add3A_53, %dma_start3A_54] : memref<64x4096xf32, #tpu.memory_space<hbm>> -> memref<1x4096xf32, #tpu.memory_space<hbm>>
    %dma_start3A_56 = tpu.memref_squeeze %dma_start3A_55 : memref<1x4096xf32, #tpu.memory_space<hbm>> -> memref<4096xf32, #tpu.memory_space<hbm>>
    %dma_start3A_57 = arith.constant 0 : i32
    %dma_start3A_58 = tpu.memref_slice %arg4[%add3A_53, %dma_start3A_57] : memref<64x4096xf32, #tpu.memory_space<hbm>> -> memref<1x4096xf32, #tpu.memory_space<hbm>>
    %dma_start3A_59 = tpu.memref_squeeze %dma_start3A_58 : memref<1x4096xf32, #tpu.memory_space<hbm>> -> memref<4096xf32, #tpu.memory_space<hbm>>
    tpu.enqueue_dma source(%arg8 : memref<4096xf32, #tpu.memory_space<vmem>>) target(%dma_start3A_59 : memref<4096xf32, #tpu.memory_space<hbm>>) target_semaphore(%arg11 : memref<!tpu.dma_semaphore, #tpu.memory_space<semaphore_mem>>)
    %dma_wait3A_60 = arith.constant 0 : i32
    %dma_wait3A_61 = tpu.memref_slice %arg4[%add3A_32, %dma_wait3A_60] : memref<64x4096xf32, #tpu.memory_space<hbm>> -> memref<1x4096xf32, #tpu.memory_space<hbm>>
    %dma_wait3A_62 = tpu.memref_squeeze %dma_wait3A_61 : memref<1x4096xf32, #tpu.memory_space<hbm>> -> memref<4096xf32, #tpu.memory_space<hbm>>
    %dma_wait3A_63 = arith.constant 0 : i32
    %dma_wait3A_64 = tpu.memref_slice %arg4[%add3A_32, %dma_wait3A_63] : memref<64x4096xf32, #tpu.memory_space<hbm>> -> memref<1x4096xf32, #tpu.memory_space<hbm>>
    %dma_wait3A_65 = tpu.memref_squeeze %dma_wait3A_64 : memref<1x4096xf32, #tpu.memory_space<hbm>> -> memref<4096xf32, #tpu.memory_space<hbm>>
    tpu.wait_dma2 semaphore(%arg11 : memref<!tpu.dma_semaphore, #tpu.memory_space<semaphore_mem>>) src(%arg7 : memref<4096xf32, #tpu.memory_space<vmem>>) dst(%dma_wait3A_65 : memref<4096xf32, #tpu.memory_space<hbm>>)
    %dma_wait3A_66 = arith.constant 0 : i32
    %dma_wait3A_67 = tpu.memref_slice %arg4[%add3A_53, %dma_wait3A_66] : memref<64x4096xf32, #tpu.memory_space<hbm>> -> memref<1x4096xf32, #tpu.memory_space<hbm>>
    %dma_wait3A_68 = tpu.memref_squeeze %dma_wait3A_67 : memref<1x4096xf32, #tpu.memory_space<hbm>> -> memref<4096xf32, #tpu.memory_space<hbm>>
    %dma_wait3A_69 = arith.constant 0 : i32
    %dma_wait3A_70 = tpu.memref_slice %arg4[%add3A_53, %dma_wait3A_69] : memref<64x4096xf32, #tpu.memory_space<hbm>> -> memref<1x4096xf32, #tpu.memory_space<hbm>>
    %dma_wait3A_71 = tpu.memref_squeeze %dma_wait3A_70 : memref<1x4096xf32, #tpu.memory_space<hbm>> -> memref<4096xf32, #tpu.memory_space<hbm>>
    tpu.wait_dma2 semaphore(%arg11 : memref<!tpu.dma_semaphore, #tpu.memory_space<semaphore_mem>>) src(%arg8 : memref<4096xf32, #tpu.memory_space<vmem>>) dst(%dma_wait3A_71 : memref<4096xf32, #tpu.memory_space<hbm>>)
    return
  }
}

</mosaic_0001>

<sc_bundles>
// kernel: kernel.3.cloned.1.call-start
scs
__scs_entry_jumppad:
0x0: {  	(pc) =	sbr.rel $0x88, $3  }
0x1: {  	(tag) =	ssettag $0x0;
	lr =	simm.s32 $0x1  }
0x2: {  	[smem:$0x3F9F] =	sst lr;
	_ =	strace $0xD0000000  }
0x3: {  	_ = 	snop  }
0x4: {  	_ = 	snop  }
0x5: {  	_ = 	snop  }
0x6: {  	_ = 	snop  }
0x7: {  	_ = 	snop  }
__scs_overlays_trampoline_lowered:
0x8: {  	[smem:$0x3FAE] =	sst s0  }
0x9: {  	[smem:$0x3FAF] =	sst s1  }
0xa: {  	[smem:$0x3FB0] =	sst s2  }
0xb: {  	[smem:$0x3FB1] =	sst s3  }
0xc: {  	[smem:$0x3FB2] =	sst s4  }
0xd: {  	[smem:$0x3FB3] =	sst s5  }
0xe: {  	[smem:$0x3FB4] =	sst s6  }
0xf: {  	[smem:$0x3FB5] =	sst s7  }
0x10: {  	[smem:$0x3FB6] =	sst s8  }
0x11: {  	[smem:$0x3FB7] =	sst s9;
	s0 =	simm.s32 @!p0 $0x0  }
0x12: {  	s1 =	sld [smem:$0x3F9D];
	s0 =	simm.s32 @p0 $0x1  }
0x13: {  	[smem:$0x3FB8] =	sst s0;
	s0 =	simm.s32 @!p1 $0x0  }
0x14: {  	s2 =	sld [smem:$0x3F9C];
	s0 =	simm.s32 @p1 $0x1  }
0x15: {  	[smem:$0x3FB9] =	sst s0;
	s0 =	simm.s32 @!p2 $0x0  }
0x16: {  	s3 =	sld [smem:$0x3FDB];
	s0 =	simm.s32 @p2 $0x1  }
0x17: {  	s4 =	simm.s32 $0x1BF5;
	[smem:$0x3FBB] =	sst s0  }
0x18: {  	s0 =	sld [smem:$0x3F9E];
	_ =	swait.ge [sflag:s4], $0x0  }
0x19: {  	s7 =	sld [smem:$0x3F9F]  }
0x1a: {  	s8 =	sadd.s32 $0xFFFFE003, lr  }
0x1b: {  	s9 =	sadd.s32 $0xFFFFFEF7, lr;
	s5 =	simm.s32 $0xFFFFFFFF;
	p2 =	slt.u32 s8, $0xFFFFF086  }
0x1c: {  	p1 =	slt.u32 s9, $0xF7A;
	s5 =	simm.s32 @!p2 $0x0  }
0x1d: {  	s5 =	simm.s32 @p1 $0x1;
	p0 =	seq.s32 s7, s2  }
0x1e: {  	s7 =	smul.u32 @!p0 $0xF7A, s2;
	p2 =	seq.s32 @!p0 s5, $0x0  }
0x1f: {  	s9 =	smul.u32 $0xF7A, s1;
	s8 =	simm.s32 @!p0 $0x1BF5;
	p2 =	por !p2, p0  }
0x20: {  	[sflag:s8] =	ssyncset.s32 @!p0 $0xFFFFF086;
	s6 =	sadd.s32 @!p0 s3, s7;
	s7 =	simm.s32 @!p0 $0x108  }
0x21: {  	s3 =	sadd.s32 s3, s9;
	s6 =	sadd.s32 @!p0 $0x88, s6;
	s7 =	simm.s32 @p2 $0x1082  }
0x22: {  	[simem:s7], [sflag:s8] =	dma.local @!p0 [hbm:s6], $0xF7A  }
0x23: {  	s9 =	sor.u32 $0xD0000000, s2;
	s6 =	simm.s32 $0x108;
	_ =	swait.ge @!p0 [sflag:s8], $0x0  }
0x24: {  	s3 =	sadd.s32 $0x88, s3;
	s6 =	simm.s32 @!p1 $0x1082;
	[sflag:s4] =	ssyncset.s32 $0xFFFFF086  }
0x25: {  	[simem:s6], [sflag:s4] =	dma.local [hbm:s3], $0xF7A  }
0x26: {  	[smem:$0x3F9F] =	sst s1;
	(tag) =	ssettag s2;
	_ =	strace s9  }
0x27: {  	s1 =	sld [smem:$0x3FAF]  }
0x28: {  	s2 =	sld [smem:$0x3FB0]  }
0x29: {  	s4 =	sld [smem:$0x3FB2]  }
0x2a: {  	p0 =	seq.s32 s5, $0x0;
	s5 =	sld [smem:$0x3FB3]  }
0x2b: {  	s6 =	sld [smem:$0x3FB4]  }
0x2c: {  	s7 =	sld [smem:$0x3FB5]  }
0x2d: {  	s3 =	simm.s32 $0x108;
	s8 =	sld [smem:$0x3FB6]  }
0x2e: {  	s3 =	simm.s32 @!p0 $0x1082;
	s9 =	sld [smem:$0x3FB7]  }
0x2f: {  	lr =	sadd.s32 s0, s3;
	s0 =	sld [smem:$0x3FAE]  }
0x30: {  	s3 =	sld [smem:$0x3FB1]  }
0x31: {  	[smem:$0x3FBA] =	sst s10  }
0x32: {  	s10 =	sld [smem:$0x3FB8];
	_ =	sdelay $0x3  }
0x33: {  	p0 =	seq.s32 s10, $0x1;
	s10 =	sld [smem:$0x3FBA];
	_ =	sdelay $0x3  }
0x34: {  	[smem:$0x3FBA] =	sst s10  }
0x35: {  	s10 =	sld [smem:$0x3FB9];
	_ =	sdelay $0x3  }
0x36: {  	p1 =	seq.s32 s10, $0x1;
	s10 =	sld [smem:$0x3FBA];
	_ =	sdelay $0x3  }
0x37: {  	[smem:$0x3FBA] =	sst s10  }
0x38: {  	s10 =	sld [smem:$0x3FBB]  }
0x39: {  	_ = 	snop;
	(pc) =	sbr.ind lr, $3  }
0x3a: {  	_ = 	snop  }
0x3b: {  	_ = 	snop  }
0x3c: {  	p2 =	seq.s32 s10, $0x1;
	s10 =	sld [smem:$0x3FBA]  }
0x3d: {  	_ =	shalt  }
0x3e: {  	_ =	shalt  }
0x3f: {  	_ =	shalt  }
0x40: {  	_ =	shalt  }
0x41: {  	_ =	shalt  }
0x42: {  	_ =	shalt  }
0x43: {  	_ =	shalt  }
0x44: {  	_ =	shalt  }
0x45: {  	_ =	shalt  }
0x46: {  	_ =	shalt  }
0x47: {  	_ =	shalt  }
0x48: {  	_ =	shalt  }
0x49: {  	_ =	shalt  }
0x4a: {  	_ =	shalt  }
0x4b: {  	_ =	shalt  }
0x4c: {  	_ =	shalt  }
0x4d: {  	_ =	shalt  }
0x4e: {  	_ =	shalt  }
0x4f: {  	_ =	shalt  }
0x50: {  	_ =	shalt  }
0x51: {  	_ =	shalt  }
0x52: {  	_ =	shalt  }
0x53: {  	_ =	shalt  }
0x54: {  	_ =	shalt  }
0x55: {  	_ =	shalt  }
0x56: {  	_ =	shalt  }
0x57: {  	_ =	shalt  }
0x58: {  	_ =	shalt  }
0x59: {  	_ =	shalt  }
0x5a: {  	_ =	shalt  }
0x5b: {  	_ =	shalt  }
0x5c: {  	_ =	shalt  }
0x5d: {  	_ =	shalt  }
0x5e: {  	_ =	shalt  }
0x5f: {  	_ =	shalt  }
0x60: {  	_ =	shalt  }
0x61: {  	_ =	shalt  }
0x62: {  	_ =	shalt  }
0x63: {  	_ =	shalt  }
0x64: {  	_ =	shalt  }
0x65: {  	_ =	shalt  }
0x66: {  	_ =	shalt  }
0x67: {  	_ =	shalt  }
0x68: {  	_ =	shalt  }
0x69: {  	_ =	shalt  }
0x6a: {  	_ =	shalt  }
0x6b: {  	_ =	shalt  }
0x6c: {  	_ =	shalt  }
0x6d: {  	_ =	shalt  }
0x6e: {  	_ =	shalt  }
0x6f: {  	_ =	shalt  }
0x70: {  	_ =	shalt  }
0x71: {  	_ =	shalt  }
0x72: {  	_ =	shalt  }
0x73: {  	_ =	shalt  }
0x74: {  	_ =	shalt  }
0x75: {  	_ =	shalt  }
0x76: {  	_ =	shalt  }
0x77: {  	_ =	shalt  }
0x78: {  	_ =	shalt  }
0x79: {  	_ =	shalt  }
0x7a: {  	_ =	shalt  }
0x7b: {  	_ =	shalt  }
0x7c: {  	_ =	shalt  }
0x7d: {  	_ =	shalt  }
0x7e: {  	_ =	shalt  }
0x7f: {  	_ =	shalt  }
0x80: {  	_ =	shalt  }
0x81: {  	_ =	shalt  }
0x82: {  	_ =	shalt  }
0x83: {  	_ =	shalt  }
0x84: {  	_ =	shalt  }
0x85: {  	_ =	shalt  }
0x86: {  	_ =	shalt  }
0x87: {  	_ =	shalt  }
.Lfunc_end0:
.L_simem_size_0:
called_computation_lowered:
.L_overlay_start_0:
0x88: {  	s2 =	sld [smem:$0x3FD9]  }
0x89: {  	s3 =	sld [smem:$0x3FFE];
	_ =	sdelay $0x1  }
0x8a: {  	s1 =	srdreg.scid  }
0x8b: {  	s0 =	sand.u32 $0x1, s1  }
0x8c: {  	s18 =	sshll.u32 s0, $0xA;
	s2 =	sadd.s32 s3, s2  }
0x8d: {  	s2 =	sadd.s32 s2, s18  }
0x8e: {  	[smem:$0x3FC6] =	sst s2  }
0x8f: {  	_ = 	snop  }
0x90: {  	s2 =	sld [smem:$0x3FC9]  }
0x91: {  	s19 =	sld [smem:$0x3FC8]  }
0x92: {  	s4 =	sld [smem:$0x3FD0];
	(tm) =	ssettm $0x1  }
0x93: {  	s5 =	sld [smem:$0x3FFB];
	_ =	sdelay $0x3  }
0x94: {  	_ =	strace s5  }
0x95: {  	s5 =	sld [smem:$0x3FFC];
	_ =	sdelay $0x3  }
0x96: {  	_ =	strace s5  }
0x97: {  	s5 =	sld [smem:$0x3FFD];
	_ =	sdelay $0x3  }
0x98: {  	_ =	strace s5  }
0x99: {  	_ =	strace $0x8FFFFFFF  }
0x9a: {  	s20 =	sld [smem:$0x3FDB];
	_ =	sdelay $0x1  }
0x9b: {  	s6 =	simm.s32 $_scs_section_size  }
0x9c: {  	s7 =	simm.s32 $_size__tile_overlayer_lowered;
	s8 =	simm.s32 $_tile_overlayer_lowered  }
0x9d: {  	s23 =	simm.s32 $0x1BFF;
	s22 =	sshll.u32 s8, $0x1;
	s5 =	sadd.s32 s6, s20  }
0x9e: {  	s9 =	simm.s32 $0x0;
	s21 =	sshll.u32 s7, $0x1;
	s7 =	sadd.s32 s22, s5  }
0x9f: {  	[timem:s9], [sflag:s23] =	dma.local [hbm:s7], s21  }
0xa0: {  	_ =	swait.ge [sflag:s23], s21  }
0xa1: {  	s6 =	ssub.s32 $0x0, s21;
	[sflag:s23] =	ssyncset.done $0x0  }
0xa2: {  	[sflag:s23] =	ssyncadd.s32 s6;
	_ =	sdelay $0x1  }
0xa3: {  	s24 =	simm.s32 $0x1B8B  }
0xa4: {  	_ =	swait.ge [sflag:s24], $0x1  }
0xa5: {  	[sflag:s24] =	ssyncset.done $0x0  }
0xa6: {  	s25 =	simm.s32 $0x1B8E;
	[sflag:s24] =	ssyncadd.s32 $0xFFFFFFFF  }
0xa7: {  	s26 =	simm.s32 $execute0_lowered;
	[smem:$0x3FD2] =	sst s25  }
0xa8: {  	s6 =	sshll.u32 s26, $0x1;
	_ =	strace $0x80000046;
	[dreg:$0x1] =	wrdreg $0xFFFFFFFF  }
0xa9: {  	s28 =	simm.s32 $_size_execute0_lowered;
	s5 =	sadd.s32 s5, s6;
	[dreg:$0x0] =	wrdreg $0x0  }
0xaa: {  	s6 =	sshll.u32 s28, $0x1;
	[dreg:$0x2] =	wrdreg s5  }
0xab: {  	[dreg:$0x3] =	wrdreg s6  }
0xac: {  	[dreg:$0x4] =	wrdreg $0xC0  }
0xad: {  	_ =	task [dreg:s9], $0x5FFFF  }
0xae: {  	[dreg:$0x1] =	wrdreg $0xFFFFFFFF  }
0xaf: {  	[dreg:$0x0] =	wrdreg $0x60  }
0xb0: {  	[dreg:$0x2] =	wrdreg s2  }
0xb1: {  	[dreg:$0x3] =	wrdreg s19  }
0xb2: {  	[dreg:$0x4] =	wrdreg s4  }
0xb3: {  	[dreg:$0x5] =	wrdreg $0x9  }
0xb4: {  	_ =	task.clear_ibuf [dreg:s9], $0x6FFFF;
	_ =	strace $0x90000046  }
0xb5: {  	s29 =	simm.s32 $0x9;
	_ =	strace $0x80000048  }
0xb6: {  	_ =	swait.ge [sflag:s29], $0x1  }
0xb7: {  	[sflag:s29] =	ssyncadd.s32 $0xFFFFFFFF  }
0xb8: {  	_ =	strace $0x90000048  }
0xb9: {  	_ =	sfence  }
0xba: {  	s30 =	sld [smem:$0x0];
	_ =	sdelay $0x2  }
0xbb: {  	s31 =	sshll.u32 s1, $0xD;
	s1 =	sshrl.u32 s1, $0x2  }
0xbc: {  	s3 =	sand.u32 $0x4000, s31;
	s1 =	sadd.s32 s1, s30  }
0xbd: {  	s0 =	sor.u32 s3, s0;
	s1 =	sshll.u32 s1, $0x11  }
0xbe: {  	s0 =	sor.u32 s1, s0  }
0xbf: {  	s0 =	sadd.s32 $0x8F2B, s0  }
0xc0: {  	[sflag:s0] =	ssyncadd.remote.s32 $0x1  }
0xc1: {  	_ =	sfence.sel $0xFFFF  }
0xc2: {  	[dreg:$0x0] =	wrdreg $0xFFFFFFFF;
	(pc) =	sbr.abs _section_cstart, $3  }
0xc3: {  	[dreg:$0x1] =	wrdreg $0xFFFFFFFF  }
0xc4: {  	_ =	task.clear_ibuf [dreg:s9], $0x2FFFF;
	_ =	strace $0x9FFFFFFF  }
0xc5: {  	(tm) =	ssettm $0x7FFFFFFF  }
tec
execute0_lowered:
.L_overlay_start_1:
0x0: {  	(tag) =	ssettag $0x1  }
0x1: {  	s5 =	rddreg [dreg:$0x0]  }
0x2: {  	s2 =	rddreg [dreg:$0x1]  }
0x3: {  	s7 =	rddreg [dreg:$0x2]  }
0x4: {  	s3 =	srdreg.scid;
	s0 =	rddreg [dreg:$0x3]  }
0x5: {  	s1 =	stileid.u32;
	s12 =	simm.s32 $0x4000;
	s13 =	simm.s32 $0x3  }
0x6: {  	s14 =	simm.s32 $0x1;
	s15 =	simm.s32 $0x2000;
	s17 =	simm.s32 $0x2  }
0x7: {  	s18 =	simm.s32 $0x0;
	s4 =	sand.u32 $0x1, s3;
	s3 =	simm.s32 $0x0  }
0x8: {  	s8 =	sshll.u32 s1, $0x1;
	s30 =	sshll.u32 s1, $0x8;
	s6 =	sshll.u32 s4, $0x5  }
0x9: {  	[smem:$0x7FF] =	sst s3;
	s4 =	ssub.s32 $0x2, s4;
	s10 =	sor.u32 s8, s6  }
0xa: {  	_ =	strace $0x80000047;
	s16 =	sor.u32 $0x1, s10;
	s6 =	sshll.u32 s10, $0xC  }
0xb: {  	s31 =	sshrl.u32 s4, $0x1;
	s9 =	sshll.u32 s16, $0x7;
	s8 =	sor.u32 s30, s6  }
0xc: {  	v0 =	vmov s10;
	s10 =	simm.s32 $0x400;
	s6 =	sor.u32 s6, s9;
	s8 =	sand.u32 $0x38300, s8  }
0xd: {  	v1 =	vmov s16;
	s16 =	simm.s32 $0x3000;
	s6 =	sand.u32 $0x38380, s6;
	s8 =	sshrl.u32 s8, $0x3  }
0xe: {  	s9 =	ssub.s32 s4, s31;
	s11 =	sshrl.u32 s6, $0x3;
	s4 =	sadd.s32 s5, s8  }
0xf: {  	s6 =	sadd.s32 s7, s8;
	s8 =	smax.u32 s9, $0x1;
	s9 =	simm.s32 $0x80  }
0x10: {  	v2 =	vlaneseq.u32;
	v3 =	vimm.f32 $1.000000000e+00;
	v0 =	vbroadcast v0, $0x0;
	s5 =	sadd.s32 s5, s11;
	s7 =	sadd.s32 s7, s11;
	s11 =	simm.s32 $0x1000  }
.LBB2_1:
0x11: {  	[tilespmem:s3], [sflag:$0x1] =	stream.strided.gather [hbm4b:s4+s9], $0x1000, s10, s9, $0x38;
	[tilespmem:$0x4080] =	vst v63  }
0x12: {  	_ = 	snop  }
0x13: {  	[tilespmem:s11], [sflag:$0x1] =	stream.strided.gather [hbm4b:s5+s9], $0x1000, s10, s9, $0x38;
	[tilespmem:$0x4080] =	vst v63  }
0x14: {  	_ = 	snop  }
0x15: {  	[tilespmem:s12], [sflag:$0x3] =	stream.linear.gather [hbm4b:s2+s3], $0x80, $0x38;
	[tilespmem:$0x4080] =	vst v63  }
0x16: {  	_ =	swait.ge [sflag:s13], $0x80  }
0x17: {  	[sflag:s13] =	ssyncset.done $0x0  }
0x18: {  	[sflag:s13] =	ssyncadd.s32 $0xFFFFFF80  }
0x19: {  	v4 =	vld.idx.msk [tilespmem:v0+s12+$0x0], $0xffff;
	_ =	swait.ge [sflag:s14], $0x1000  }
0x1a: {  	[sflag:s14] =	ssyncset.done $0x0  }
0x1b: {  	s20 =	simm.s32 $0x40;
	[sflag:s14] =	ssyncadd.s32 $0xFFFFF000  }
0x1c: {  	s19 =	simm.s32 $0x30;
	v5 =	vld [tilespmem:s20+$0x30]  }
0x1d: {  	s21 =	simm.s32 $0x10;
	s30 =	simm.s32 $0x40;
	s23 =	simm.s32 $0x50;
	v6 =	vor.u32 s19, v2;
	v10 =	vld [tilespmem:s20+$0x20]  }
0x1e: {  	s29 =	simm.s32 $0x20;
	s24 =	simm.s32 $0xB0;
	s25 =	simm.s32 $0xE0;
	v7 =	vor.u32 s21, v2;
	v9 =	vor.u32 s30, v2;
	v8 =	vor.u32 s23, v2;
	v11 =	vld [tilespmem:s20+$0x10]  }
0x1f: {  	s28 =	simm.s32 $0xD0;
	v12 =	vor.u32 s29, v2;
	s23 =	simm.s32 $0x90;
	v15 =	vor.u32 s24, v2;
	v20 =	vor.u32 s25, v2;
	v14 =	vld [tilespmem:s20+$0xFFFFFFF0]  }
0x20: {  	s22 =	simm.s32 $0x60;
	s31 =	simm.s32 $0x0;
	v16 =	vor.u32 s28, v2;
	v19 =	vor.u32 s23, v2;
	v18 =	vld [tilespmem:s20+$0xFFFFFFD0];
	vm0 =	vlt.s32 v6, v4  }
0x21: {  	v13 =	vld [tilespmem:s20+$0x0];
	v6 =	vor.u32 s22, v2;
	s22 =	simm.s32 $0x70;
	vm1 =	vlt.s32 v7, v4;
	v7 =	vor.u32 s31, v2  }
0x22: {  	s19 =	simm.s32 $0xC0;
	v17 =	vld [tilespmem:s20+$0xFFFFFFE0];
	vm2 =	vlt.s32 v12, v4;
	vm3 =	vlt.s32 v7, v4;
	v7 =	vor.u32 s22, v2  }
0x23: {  	vm4 =	vlt.s32 v6, v4;
	vm6 =	vmmov vm1;
	v6 =	vld [tilespmem:s19+$0x30];
	vm5 =	vlt.s32 v7, v4  }
0x24: {  	v7 =	vsel vm3, $0x0, v3;
	vm3 =	vlt.s32 v8, v4;
	v8 =	vld [tilespmem:s20+$0xFFFFFFC0];
	v12 =	vsel vm4, $0x0, v3  }
0x25: {  	s31 =	simm.s32 $0xF0;
	vm1 =	vlt.s32 v9, v4;
	v9 =	vld [tilespmem:s19+$0x20];
	vm4 =	vmmov vm0;
	v21 =	vsel vm3, $0x0, v3;
	[tilespmem:v10+s15+$0x0] =	vst.idx.msk $0xffff, v12  }
0x26: {  	s26 =	simm.s32 $0xC0;
	v63 =	vor.u32 s31, v2;
	vm0 =	vlt.s32 v15, v4;
	v62 =	vsel vm4, $0x0, v3;
	v10 =	vld [tilespmem:s19+$0x10];
	[tilespmem:v11+s15+$0x0] =	vst.idx.msk $0xffff, v21  }
0x27: {  	s29 =	simm.s32 $0xA0;
	v15 =	vor.u32 s26, v2;
	v22 =	vsel vm6, $0x0, v3;
	vm6 =	vlt.s32 v20, v4;
	v11 =	vld [tilespmem:s19+$0x0];
	[tilespmem:v14+s15+$0x0] =	vst.idx.msk $0xffff, v62  }
0x28: {  	s30 =	simm.s32 $0x80;
	vm3 =	vlt.s32 v19, v4;
	v19 =	vor.u32 s29, v2;
	v12 =	vsel vm1, $0x0, v3;
	v14 =	vld [tilespmem:s19+$0xFFFFFFD0];
	[tilespmem:v18+s15+$0x0] =	vst.idx.msk $0xffff, v22  }
0x29: {  	vm1 =	vlt.s32 v19, v4;
	v19 =	vsel vm2, $0x0, v3;
	[tilespmem:v13+s15+$0x0] =	vst.idx.msk $0xffff, v12;
	v13 =	vor.u32 s30, v2;
	v12 =	vld [tilespmem:s19+$0xFFFFFFF0]  }
0x2a: {  	s21 =	simm.s32 $0x170;
	s22 =	simm.s32 $0x140;
	s20 =	simm.s32 $0x8;
	vm2 =	vlt.s32 v63, v4;
	[tilespmem:v17+s15+$0x0] =	vst.idx.msk $0xffff, v19;
	v17 =	vsel vm5, $0x0, v3;
	vm4 =	vlt.s32 v13, v4;
	v13 =	vld [tilespmem:s19+$0xFFFFFFE0]  }
.LBB2_2:
0x2b: {  	s23 =	sadd.s32 $0xFFFFFFA0, s21;
	vm7 =	vlt.s32 v16, v4;
	v16 =	vsel vm6, $0x0, v3  }
0x2c: {  	s24 =	sadd.s32 $0xFFFFFFC0, s21;
	s25 =	sadd.s32 $0xFFFFFFF0, s21;
	[tilespmem:v8+s15+$0x0] =	vst.idx.msk $0xffff, v7;
	v7 =	vsel vm4, $0x0, v3;
	v8 =	vld [tilespmem:s19+$0xFFFFFFC0];
	vm4 =	vmmov vm0;
	vm5 =	vmmov vm3;
	s19 =	smov.u32 s22  }
0x2d: {  	s20 =	sadd.s32 $0x8, s20;
	vm3 =	vlt.s32 v15, v4;
	v18 =	vor.u32 s23, v2;
	s23 =	sadd.s32 $0xFFFFFFB0, s21;
	v19 =	vor.u32 s24, v2;
	[tilespmem:v5+s15+$0x0] =	vst.idx.msk $0xffff, v17;
	v5 =	vmovc v6;
	v6 =	vld [tilespmem:s22+$0x30]  }
0x2e: {  	s26 =	sadd.s32 $0xFFFFFFE0, s21;
	s24 =	sadd.s32 $0xFFFFFFD0, s21;
	v17 =	vor.u32 s25, v2;
	p0 =	slt.u32 s20, $0xF8;
	vm0 =	vlt.s32 v19, v4;
	v19 =	vsel vm7, $0x0, v3;
	[tilespmem:v9+s15+$0x0] =	vst.idx.msk $0xffff, v16;
	v9 =	vld [tilespmem:s22+$0x20]  }
.Ltmp0:
0x2f: {  	v20 =	vsel vm3, $0x0, v3;
	v15 =	vor.u32 s24, v2;
	v16 =	vor.u32 s26, v2;
	[tilespmem:v10+s15+$0x0] =	vst.idx.msk $0xffff, v19;
	v10 =	vld [tilespmem:s22+$0x10];
	(pc) =	sbr.rel @p0 .LBB2_2-.Ltmp0, $4  }
0x30: {  	s24 =	sadd.s32 $0xFFFFFF90, s21;
	vm3 =	vlt.s32 v18, v4;
	v18 =	vor.u32 s23, v2;
	v19 =	vsel vm4, $0x0, v3;
	[tilespmem:v11+s15+$0x0] =	vst.idx.msk $0xffff, v20;
	v11 =	vld [tilespmem:s22+$0x0]  }
0x31: {  	v21 =	vsel vm1, $0x0, v3;
	vm1 =	vlt.s32 v18, v4;
	v20 =	vor.u32 s24, v2;
	[tilespmem:v12+s15+$0x0] =	vst.idx.msk $0xffff, v19;
	v12 =	vld [tilespmem:s22+$0xFFFFFFF0]  }
0x32: {  	v18 =	vor.u32 s21, v2;
	vm4 =	vlt.s32 v20, v4;
	v19 =	vsel vm5, $0x0, v3;
	[tilespmem:v13+s15+$0x0] =	vst.idx.msk $0xffff, v21;
	v13 =	vld [tilespmem:s22+$0xFFFFFFE0]  }
0x33: {  	vm6 =	vlt.s32 v17, v4;
	v17 =	vsel vm2, $0x0, v3;
	s21 =	sadd.s32 $0x80, s21;
	vm2 =	vlt.s32 v18, v4;
	s22 =	sadd.s32 $0x80, s22;
	[tilespmem:v14+s15+$0x0] =	vst.idx.msk $0xffff, v19;
	v14 =	vld [tilespmem:s19+$0xFFFFFFD0]  }
0x34: {  	_ =	sdelay $0x3  }
0x35: {  	[tilespmem:v8+s15+$0x0] =	vst.idx.msk $0xffff, v7  }
0x36: {  	v18 =	vld [tilespmem:s19+$0xFFFFFFC0];
	vm5 =	vlt.s32 v16, v4;
	v7 =	vsel vm6, $0x0, v3;
	[tilespmem:v5+s15+$0x0] =	vst.idx.msk $0xffff, v17  }
0x37: {  	vm6 =	vlt.s32 v15, v4;
	v4 =	vsel vm5, $0x0, v3;
	[tilespmem:v9+s15+$0x0] =	vst.idx.msk $0xffff, v7  }
0x38: {  	vm0 =	vmmov vm0;
	v5 =	vsel vm6, $0x0, v3;
	[tilespmem:v10+s15+$0x0] =	vst.idx.msk $0xffff, v4  }
0x39: {  	v4 =	vsel vm0, $0x0, v3;
	[tilespmem:v11+s15+$0x0] =	vst.idx.msk $0xffff, v5  }
0x3a: {  	vm0 =	vmmov vm3;
	v5 =	vsel vm1, $0x0, v3;
	[tilespmem:v12+s15+$0x0] =	vst.idx.msk $0xffff, v4  }
0x3b: {  	v4 =	vsel vm0, $0x0, v3;
	[tilespmem:v13+s15+$0x0] =	vst.idx.msk $0xffff, v5  }
0x3c: {  	[tilespmem:v14+s15+$0x0] =	vst.idx.msk $0xffff, v4;
	v4 =	vsel vm2, $0x0, v3  }
0x3d: {  	v5 =	vsel vm4, $0x0, v3;
	[tilespmem:v6+s15+$0x0] =	vst.idx.msk $0xffff, v4  }
0x3e: {  	[tilespmem:v18+s15+$0x0] =	vst.idx.msk $0xffff, v5  }
0x3f: {  	[hbm4b:s6+s9] =	stream.strided.scatter [tilespmem:s15], [sflag:$0x2], $0x1000, s10, s9, $0x38;
	[tilespmem:$0x4080] =	vst v63  }
0x40: {  	v4 =	vld.idx.msk [tilespmem:v1+s12+$0x0], $0xffff;
	_ =	swait.ge [sflag:s14], $0x1000  }
0x41: {  	[sflag:s14] =	ssyncset.done $0x0  }
0x42: {  	s20 =	simm.s32 $0x1040;
	[sflag:s14] =	ssyncadd.s32 $0xFFFFF000  }
0x43: {  	s21 =	simm.s32 $0x10;
	v5 =	vld [tilespmem:s20+$0x30]  }
0x44: {  	s30 =	simm.s32 $0x40;
	s23 =	simm.s32 $0x50;
	s24 =	simm.s32 $0xB0;
	v7 =	vor.u32 s21, v2;
	v10 =	vld [tilespmem:s20+$0x20]  }
0x45: {  	s28 =	simm.s32 $0x30;
	s25 =	simm.s32 $0xE0;
	v9 =	vor.u32 s30, v2;
	v8 =	vor.u32 s23, v2;
	s23 =	simm.s32 $0x90;
	v15 =	vor.u32 s24, v2;
	v11 =	vld [tilespmem:s20+$0x10]  }
0x46: {  	s29 =	simm.s32 $0x20;
	v20 =	vor.u32 s25, v2;
	v19 =	vor.u32 s23, v2;
	v6 =	vor.u32 s28, v2;
	s28 =	simm.s32 $0xD0;
	v14 =	vld [tilespmem:s20+$0xFFFFFFF0]  }
0x47: {  	s22 =	simm.s32 $0x60;
	s31 =	simm.s32 $0x0;
	v12 =	vor.u32 s29, v2;
	v16 =	vor.u32 s28, v2;
	v18 =	vld [tilespmem:s20+$0xFFFFFFD0];
	vm0 =	vlt.s32 v6, v4  }
0x48: {  	v13 =	vld [tilespmem:s20+$0x0];
	v6 =	vor.u32 s22, v2;
	s22 =	simm.s32 $0x70;
	vm1 =	vlt.s32 v7, v4;
	v7 =	vor.u32 s31, v2  }
0x49: {  	s19 =	simm.s32 $0x10C0;
	v17 =	vld [tilespmem:s20+$0xFFFFFFE0];
	vm2 =	vlt.s32 v12, v4;
	vm3 =	vlt.s32 v7, v4;
	v7 =	vor.u32 s22, v2  }
0x4a: {  	vm4 =	vlt.s32 v6, v4;
	vm6 =	vmmov vm1;
	v6 =	vld [tilespmem:s19+$0x30];
	vm5 =	vlt.s32 v7, v4  }
0x4b: {  	v7 =	vsel vm3, $0x0, v3;
	vm3 =	vlt.s32 v8, v4;
	v8 =	vld [tilespmem:s20+$0xFFFFFFC0];
	v12 =	vsel vm4, $0x0, v3  }
0x4c: {  	s31 =	simm.s32 $0xF0;
	vm1 =	vlt.s32 v9, v4;
	v9 =	vld [tilespmem:s19+$0x20];
	vm4 =	vmmov vm0;
	v21 =	vsel vm3, $0x0, v3;
	[tilespmem:v10+s16+$0x0] =	vst.idx.msk $0xffff, v12  }
0x4d: {  	s26 =	simm.s32 $0xC0;
	v63 =	vor.u32 s31, v2;
	vm0 =	vlt.s32 v15, v4;
	v62 =	vsel vm4, $0x0, v3;
	v10 =	vld [tilespmem:s19+$0x10];
	[tilespmem:v11+s16+$0x0] =	vst.idx.msk $0xffff, v21  }
0x4e: {  	s29 =	simm.s32 $0xA0;
	v15 =	vor.u32 s26, v2;
	v22 =	vsel vm6, $0x0, v3;
	vm6 =	vlt.s32 v20, v4;
	v11 =	vld [tilespmem:s19+$0x0];
	[tilespmem:v14+s16+$0x0] =	vst.idx.msk $0xffff, v62  }
0x4f: {  	s30 =	simm.s32 $0x80;
	vm3 =	vlt.s32 v19, v4;
	v19 =	vor.u32 s29, v2;
	v12 =	vsel vm1, $0x0, v3;
	v14 =	vld [tilespmem:s19+$0xFFFFFFD0];
	[tilespmem:v18+s16+$0x0] =	vst.idx.msk $0xffff, v22  }
0x50: {  	vm1 =	vlt.s32 v19, v4;
	v19 =	vsel vm2, $0x0, v3;
	[tilespmem:v13+s16+$0x0] =	vst.idx.msk $0xffff, v12;
	v13 =	vor.u32 s30, v2;
	v12 =	vld [tilespmem:s19+$0xFFFFFFF0]  }
0x51: {  	s21 =	simm.s32 $0x170;
	s22 =	simm.s32 $0x1140;
	s20 =	simm.s32 $0x8;
	vm2 =	vlt.s32 v63, v4;
	[tilespmem:v17+s16+$0x0] =	vst.idx.msk $0xffff, v19;
	v17 =	vsel vm5, $0x0, v3;
	vm4 =	vlt.s32 v13, v4;
	v13 =	vld [tilespmem:s19+$0xFFFFFFE0]  }
.LBB2_4:
0x52: {  	s23 =	sadd.s32 $0xFFFFFFA0, s21;
	vm7 =	vlt.s32 v16, v4;
	v16 =	vsel vm6, $0x0, v3  }
0x53: {  	s24 =	sadd.s32 $0xFFFFFFC0, s21;
	s25 =	sadd.s32 $0xFFFFFFF0, s21;
	[tilespmem:v8+s16+$0x0] =	vst.idx.msk $0xffff, v7;
	v7 =	vsel vm4, $0x0, v3;
	v8 =	vld [tilespmem:s19+$0xFFFFFFC0];
	vm4 =	vmmov vm0;
	vm5 =	vmmov vm3;
	s19 =	smov.u32 s22  }
0x54: {  	s20 =	sadd.s32 $0x8, s20;
	vm3 =	vlt.s32 v15, v4;
	v18 =	vor.u32 s23, v2;
	s23 =	sadd.s32 $0xFFFFFFB0, s21;
	v19 =	vor.u32 s24, v2;
	[tilespmem:v5+s16+$0x0] =	vst.idx.msk $0xffff, v17;
	v5 =	vmovc v6;
	v6 =	vld [tilespmem:s22+$0x30]  }
0x55: {  	s26 =	sadd.s32 $0xFFFFFFE0, s21;
	s24 =	sadd.s32 $0xFFFFFFD0, s21;
	v17 =	vor.u32 s25, v2;
	p0 =	slt.u32 s20, $0xF8;
	vm0 =	vlt.s32 v19, v4;
	v19 =	vsel vm7, $0x0, v3;
	[tilespmem:v9+s16+$0x0] =	vst.idx.msk $0xffff, v16;
	v9 =	vld [tilespmem:s22+$0x20]  }
.Ltmp1:
0x56: {  	v20 =	vsel vm3, $0x0, v3;
	v15 =	vor.u32 s24, v2;
	v16 =	vor.u32 s26, v2;
	[tilespmem:v10+s16+$0x0] =	vst.idx.msk $0xffff, v19;
	v10 =	vld [tilespmem:s22+$0x10];
	(pc) =	sbr.rel @p0 .LBB2_4-.Ltmp1, $4  }
0x57: {  	s24 =	sadd.s32 $0xFFFFFF90, s21;
	vm3 =	vlt.s32 v18, v4;
	v18 =	vor.u32 s23, v2;
	v19 =	vsel vm4, $0x0, v3;
	[tilespmem:v11+s16+$0x0] =	vst.idx.msk $0xffff, v20;
	v11 =	vld [tilespmem:s22+$0x0]  }
0x58: {  	v21 =	vsel vm1, $0x0, v3;
	vm1 =	vlt.s32 v18, v4;
	v20 =	vor.u32 s24, v2;
	[tilespmem:v12+s16+$0x0] =	vst.idx.msk $0xffff, v19;
	v12 =	vld [tilespmem:s22+$0xFFFFFFF0]  }
0x59: {  	v18 =	vor.u32 s21, v2;
	vm4 =	vlt.s32 v20, v4;
	v19 =	vsel vm5, $0x0, v3;
	[tilespmem:v13+s16+$0x0] =	vst.idx.msk $0xffff, v21;
	v13 =	vld [tilespmem:s22+$0xFFFFFFE0]  }
0x5a: {  	vm6 =	vlt.s32 v17, v4;
	v17 =	vsel vm2, $0x0, v3;
	s21 =	sadd.s32 $0x80, s21;
	vm2 =	vlt.s32 v18, v4;
	s22 =	sadd.s32 $0x80, s22;
	[tilespmem:v14+s16+$0x0] =	vst.idx.msk $0xffff, v19;
	v14 =	vld [tilespmem:s19+$0xFFFFFFD0]  }
0x5b: {  	_ =	sdelay $0x3  }
0x5c: {  	[tilespmem:v8+s16+$0x0] =	vst.idx.msk $0xffff, v7  }
0x5d: {  	v18 =	vld [tilespmem:s19+$0xFFFFFFC0];
	v63 =	vsel vm6, $0x0, v3;
	vm5 =	vlt.s32 v16, v4;
	[tilespmem:v5+s16+$0x0] =	vst.idx.msk $0xffff, v17  }
0x5e: {  	vm14 =	vlt.s32 v15, v4;
	v5 =	vsel vm5, $0x0, v3;
	[tilespmem:v9+s16+$0x0] =	vst.idx.msk $0xffff, v63  }
0x5f: {  	vm0 =	vmmov vm0;
	v4 =	vsel vm14, $0x0, v3;
	[tilespmem:v10+s16+$0x0] =	vst.idx.msk $0xffff, v5  }
0x60: {  	v5 =	vsel vm0, $0x0, v3;
	[tilespmem:v11+s16+$0x0] =	vst.idx.msk $0xffff, v4  }
0x61: {  	vm15 =	vmmov vm3;
	v4 =	vsel vm1, $0x0, v3;
	[tilespmem:v12+s16+$0x0] =	vst.idx.msk $0xffff, v5  }
0x62: {  	v5 =	vsel vm15, $0x0, v3;
	[tilespmem:v13+s16+$0x0] =	vst.idx.msk $0xffff, v4  }
0x63: {  	[tilespmem:v14+s16+$0x0] =	vst.idx.msk $0xffff, v5;
	v5 =	vsel vm2, $0x0, v3  }
0x64: {  	v4 =	vsel vm4, $0x0, v3;
	[tilespmem:v6+s16+$0x0] =	vst.idx.msk $0xffff, v5  }
0x65: {  	s18 =	sadd.s32 $0x1, s18;
	[tilespmem:v18+s16+$0x0] =	vst.idx.msk $0xffff, v4  }
0x66: {  	[hbm4b:s7+s9] =	stream.strided.scatter [tilespmem:s16], [sflag:$0x2], $0x1000, s10, s9, $0x38;
	[tilespmem:$0x4080] =	vst v63  }
0x67: {  	p0 =	sne.s32 s18, s8;
	_ =	swait.ge [sflag:s17], $0x1000  }
.Ltmp2:
0x68: {  	[sflag:s17] =	ssyncset.done $0x0;
	(pc) =	sbr.rel @p0 .LBB2_1-.Ltmp2, $4  }
0x69: {  	[sflag:s17] =	ssyncadd.s32 $0xFFFFF000  }
0x6a: {  	_ =	swait.ge [sflag:s17], $0x1000  }
0x6b: {  	[sflag:s17] =	ssyncset.done $0x0  }
0x6c: {  	[sflag:s17] =	ssyncadd.s32 $0xFFFFF000  }
0x6d: {  	_ =	sfence.sel $0x180000  }
0x6e: {  	[bflag:$0x0] =	sbarrier.arrive $0xFFFF  }
0x6f: {  	p0 =	sne.s32 s1, $0x0;
	_ =	strace $0x90000047  }
0x70: {  	s0 =	sadd.s32 @!p0 $0x100000, s0;
	[bflag:$0x2] =	sbarrier.arrive $0xFFFF  }
0x71: {  	[sflag:s0] =	ssyncadd.tile.s32 @!p0 $0x1;
	_ =	shalt  }
.Lfunc_end2:
_tile_overlayer_lowered:
.L_overlay_start_2:
0x72: {  	(tag) =	ssettag $0x2  }
0x73: {  	s0 =	rddreg [dreg:$0x0];
	s2 =	stileid.u32  }
0x74: {  	s1 =	rddreg [dreg:$0x1];
	p0 =	sne.s32 s2, $0x0  }
0x75: {  	s3 =	rddreg [dreg:$0x2];
	[bflag:$0x3] =	sbarrier.arrive $0xFFFF;
	s2 =	simm.s32 @!p0 $0x1C03  }
0x76: {  	[timem:s3], [sflag:s2] =	dma.local @!p0 [hbm:s0], s1  }
0x77: {  	s0 =	simm.s32 @!p0 $0x3  }
0x78: {  	_ =	swait.ge @!p0 [sflag:s0], s1  }
0x79: {  	s1 =	ssub.s32 @!p0 $0x0, s1;
	[sflag:s0] =	ssyncset.done @!p0 $0x0  }
0x7a: {  	[sflag:s0] =	ssyncadd.s32 @!p0 s1  }
0x7b: {  	[bflag:$0x3] =	sbarrier.arrive $0xFFFF  }
0x7c: {  	_ =	shalt  }

</sc_bundles>
